<compile_context>
chip_gen: v7x
topology: tpu7x:2x2x1
jax: 0.10.2.dev20260603
libtpu: 0.0.44.dev20260713+nightly
codegen_flags: <defaults>
</compile_context>

<pallas_src>
import jax
import jax.numpy as jnp
from jax import lax
from jax.experimental import pallas as pl
from jax.experimental.pallas import tpu as pltpu
from jax.experimental.pallas import tpu_sc as plsc

N = 3276800
D = 2
N_CATEGORIES = 1000000
NUM_CORES = 2
NUM_SUBCORES = 16
NUM_WORKERS = NUM_CORES * NUM_SUBCORES
LANES = 16

PER_WORKER = N // NUM_WORKERS
CHUNK = 10240
NCHUNK = PER_WORKER // CHUNK


STAGE = N_CATEGORIES // 8
SCHUNK = 25000


def _sc_body(cat_hbm, mu_hbm, mu_out_hbm, var_hbm,
             idx0, idx1, vals0, vals1, stage_v, mu_sp,
             sg0, sg1, sidx):
    sid = lax.axis_index("s")
    wid = sid * NUM_CORES + lax.axis_index("c")
    worker_base = wid * PER_WORKER

    @pl.when(sid < 8)
    def _():
        def stage_body(k, carry):
            off = sid * STAGE + k * SCHUNK
            pltpu.sync_copy(mu_hbm.at[pl.ds(off, SCHUNK)], stage_v)
            pltpu.sync_copy(stage_v, mu_sp.at[pl.ds(off, SCHUNK)])
            return carry

        lax.fori_loop(0, STAGE // SCHUNK, stage_body, 0)

    plsc.subcore_barrier()

    idx = (idx0, idx1)
    vals = (vals0, vals1)
    sg = (sg0, sg1)

    def load_idx(ci, b):
        pltpu.sync_copy(
            cat_hbm.at[pl.ds(worker_base + ci * CHUNK, CHUNK)], idx[b])

    def idx_list(b):
        return idx[b]

    def start_gather(b):
        pltpu.async_copy(mu_sp.at[idx_list(b)], vals[b], sg[b])

    def finish_chunk(ci, b):
        pltpu.make_async_copy(mu_sp.at[idx_list(b)], vals[b], sg[b]).wait()
        base = worker_base + ci * CHUNK
        pltpu.sync_copy(vals[b], mu_out_hbm.at[pl.ds(base, CHUNK)])

        def vec_body(j, carry):
            v = vals[b][pl.ds(j * LANES, LANES)]
            vals[b][pl.ds(j * LANES, LANES)] = v - v * v
            return carry

        lax.fori_loop(0, CHUNK // LANES, vec_body, 0, unroll=4)
        pltpu.sync_copy(vals[b], var_hbm.at[pl.ds(base, CHUNK)])

    load_idx(0, 0)
    start_gather(0)

    def pair_body(k, carry):
        ci0 = 2 * k
        load_idx(ci0 + 1, 1)
        start_gather(1)
        finish_chunk(ci0, 0)

        @pl.when(k < NCHUNK // 2 - 1)
        def _():
            load_idx(ci0 + 2, 0)
            start_gather(0)

        finish_chunk(ci0 + 1, 1)
        return carry

    lax.fori_loop(0, NCHUNK // 2, pair_body, 0)


@jax.jit
def kernel(Xnew, mu):
    cat = Xnew[:, -1].astype(jnp.int32)
    mesh = plsc.VectorSubcoreMesh(
        core_axis_name="c", subcore_axis_name="s",
        num_cores=NUM_CORES, num_subcores=NUM_SUBCORES,
    )
    run = pl.kernel(
        _sc_body,
        out_type=(
            jax.ShapeDtypeStruct((N,), jnp.float32),
            jax.ShapeDtypeStruct((N,), jnp.float32),
        ),
        mesh=mesh,
        scratch_types=[
            pltpu.VMEM((CHUNK,), jnp.int32),
            pltpu.VMEM((CHUNK,), jnp.int32),
            pltpu.VMEM((CHUNK,), jnp.float32),
            pltpu.VMEM((CHUNK,), jnp.float32),
            pltpu.VMEM((SCHUNK,), jnp.float32),
            pltpu.VMEM_SHARED((N_CATEGORIES,), jnp.float32),
            pltpu.SemaphoreType.DMA,
            pltpu.SemaphoreType.DMA,
            pltpu.SemaphoreType.DMA,
        ],
    )
    mu_out, var = run(cat, mu)
    return (mu_out, var)

# --- scband reference (transcript-rebuilt; emitter-appended) ---
"""Pipeline reference for scband-constant-categorical-27728308863046 (READ-ONLY COPY).

The authoritative reference and input builder live on the scoring server;
editing this copy changes nothing except your own understanding.
"""

import jax, jax.numpy as jnp
import numpy as np

N = 3276800
D = 2
N_CATEGORIES = 1000000

def setup_inputs(seed: int = 0) -> dict:
    key = jax.random.key(seed)
    k1, k2 = jax.random.split(key)
    # Xnew: last column holds the category id (int-valued, as in the original model)
    Xnew = jax.random.randint(k1, (N, D), 0, N_CATEGORIES)
    # learned per-category rate parameter mu (probabilities in [0, 1])
    mu = jax.random.uniform(k2, (N_CATEGORIES,), dtype=jnp.float32)
    return {"Xnew": Xnew, "mu": mu}

def reference(Xnew, mu):
    # Faithful translation of ConstantCategorical.predict_y:
    #   cat = Xnew[:, category_dim]; mu_out[cat==i] = _mu[i]
    # which is exactly an embedding lookup (gather) into the per-category table.
    cat = Xnew[:, -1]
    mu_out = jnp.take(mu, cat, axis=0)
    var = mu_out - jnp.square(mu_out)
    return (mu_out, var)

if __name__ == "__main__":
    import jax
    _d = setup_inputs()
    print(jax.jit(kernel)(*tuple(_d.values())))

</pallas_src>

<mosaic_0001>
#map = affine_map<(d0, d1) -> (0)>
module attributes {stable_mosaic.version = 14 : i64} {
  func.func @_sc_body(%arg0: i32, %arg1: i32, %arg2: memref<3276800xi32, #tpu.memory_space<hbm>>, %arg3: memref<1000000xf32, #tpu.memory_space<hbm>>, %arg4: memref<3276800xf32, #tpu.memory_space<hbm>>, %arg5: memref<3276800xf32, #tpu.memory_space<hbm>>, %arg6: memref<10240xi32, #tpu.memory_space<vmem>>, %arg7: memref<10240xi32, #tpu.memory_space<vmem>>, %arg8: memref<10240xf32, #tpu.memory_space<vmem>>, %arg9: memref<10240xf32, #tpu.memory_space<vmem>>, %arg10: memref<25000xf32, #tpu.memory_space<vmem>>, %arg11: memref<1000000xf32, #tpu.memory_space<vmem_shared>>, %arg12: memref<!tpu.dma_semaphore, #tpu.memory_space<semaphore_mem>>, %arg13: memref<!tpu.dma_semaphore, #tpu.memory_space<semaphore_mem>>, %arg14: memref<!tpu.dma_semaphore, #tpu.memory_space<semaphore_mem>>) attributes {dimension_semantics = [#tpu.dimension_semantics<core_parallel>, #tpu.dimension_semantics<subcore_parallel>], iteration_bounds = array<i64: 2, 16>, scalar_prefetch = 0 : i64, scratch_operands = 9 : i64, tpu.core_type = #tpu.core_type<sc_vector_subcore>, window_params = [{transform_indices = #map}, {transform_indices = #map}, {transform_indices = #map}, {transform_indices = #map}]} {
    %mul3A = arith.constant 2 : i32
    %mul3A_0 = arith.muli %arg1, %mul3A : i32
    %add3A = arith.addi %mul3A_0, %arg0 : i32
    %mul3A_1 = arith.constant 102400 : i32
    %mul3A_2 = arith.muli %add3A, %mul3A_1 : i32
    %lt3A = arith.constant 8 : i32
    %lt3A_3 = arith.cmpi slt, %arg1, %lt3A : i32
    %convert_element_type3A = arith.extui %lt3A_3 : i1 to i32
    %cond3A = arith.constant 0 : i32
    %cond3A_4 = arith.cmpi ne, %convert_element_type3A, %cond3A : i32
    scf.if %cond3A_4 {
      %scan3A_13 = arith.constant 0 : i32
      %scan3A_14 = arith.constant 0 : i32
      %scan3A_15 = arith.constant 5 : i32
      %scan3A_16 = arith.addi %scan3A_14, %scan3A_15 : i32
      %scan3A_17 = arith.constant 1 : i32
      scf.for %scan3A_19 = %scan3A_14 to %scan3A_16 step %scan3A_17  : i32 {
        %mul3A_20 = arith.constant 125000 : i32
        %mul3A_21 = arith.muli %arg1, %mul3A_20 : i32
        %mul3A_22 = arith.constant 25000 : i32
        %mul3A_23 = arith.muli %scan3A_19, %mul3A_22 : i32
        %add3A_24 = arith.addi %mul3A_21, %mul3A_23 : i32
        "tpu.region"() ({
          %run_scoped3A = tpu.sem_alloc : memref<!tpu.dma_semaphore, #tpu.memory_space<semaphore_mem>>
          %dma_start3A_25 = tpu.memref_slice %arg3[%add3A_24] : memref<1000000xf32, #tpu.memory_space<hbm>> -> memref<25000xf32, #tpu.memory_space<hbm>>
          %dma_start3A_26 = tpu.memref_slice %arg3[%add3A_24] : memref<1000000xf32, #tpu.memory_space<hbm>> -> memref<25000xf32, #tpu.memory_space<hbm>>
          tpu.enqueue_dma source(%dma_start3A_26 : memref<25000xf32, #tpu.memory_space<hbm>>) target(%arg10 : memref<25000xf32, #tpu.memory_space<vmem>>) target_semaphore(%run_scoped3A : memref<!tpu.dma_semaphore, #tpu.memory_space<semaphore_mem>>)
          %dma_wait3A = tpu.memref_slice %arg3[%add3A_24] : memref<1000000xf32, #tpu.memory_space<hbm>> -> memref<25000xf32, #tpu.memory_space<hbm>>
          %dma_wait3A_27 = tpu.memref_slice %arg3[%add3A_24] : memref<1000000xf32, #tpu.memory_space<hbm>> -> memref<25000xf32, #tpu.memory_space<hbm>>
          tpu.wait_dma2 semaphore(%run_scoped3A : memref<!tpu.dma_semaphore, #tpu.memory_space<semaphore_mem>>) src(%dma_wait3A_27 : memref<25000xf32, #tpu.memory_space<hbm>>) dst(%arg10 : memref<25000xf32, #tpu.memory_space<vmem>>)
          tpu.yield
        }) : () -> ()
        "tpu.region"() ({
          %run_scoped3A = tpu.sem_alloc : memref<!tpu.dma_semaphore, #tpu.memory_space<semaphore_mem>>
          %dma_start3A_25 = tpu.memref_slice %arg11[%add3A_24] : memref<1000000xf32, #tpu.memory_space<vmem_shared>> -> memref<25000xf32, #tpu.memory_space<vmem_shared>>
          %dma_start3A_26 = tpu.memref_slice %arg11[%add3A_24] : memref<1000000xf32, #tpu.memory_space<vmem_shared>> -> memref<25000xf32, #tpu.memory_space<vmem_shared>>
          tpu.enqueue_dma source(%arg10 : memref<25000xf32, #tpu.memory_space<vmem>>) target(%dma_start3A_26 : memref<25000xf32, #tpu.memory_space<vmem_shared>>) target_semaphore(%run_scoped3A : memref<!tpu.dma_semaphore, #tpu.memory_space<semaphore_mem>>)
          %dma_wait3A = tpu.memref_slice %arg11[%add3A_24] : memref<1000000xf32, #tpu.memory_space<vmem_shared>> -> memref<25000xf32, #tpu.memory_space<vmem_shared>>
          %dma_wait3A_27 = tpu.memref_slice %arg11[%add3A_24] : memref<1000000xf32, #tpu.memory_space<vmem_shared>> -> memref<25000xf32, #tpu.memory_space<vmem_shared>>
          tpu.wait_dma2 semaphore(%run_scoped3A : memref<!tpu.dma_semaphore, #tpu.memory_space<semaphore_mem>>) src(%arg10 : memref<25000xf32, #tpu.memory_space<vmem>>) dst(%dma_wait3A_27 : memref<25000xf32, #tpu.memory_space<vmem_shared>>)
          tpu.yield
        }) : () -> ()
      }
      %scan3A_18 = arith.constant 5 : i32
    } else {
    }
    %barrier3A = arith.constant 0 : index
    tpu.barrier barrier_id(%barrier3A)
    %add3A_5 = arith.constant 0 : i32
    %add3A_6 = arith.addi %mul3A_2, %add3A_5 : i32
    "tpu.region"() ({
      %run_scoped3A = tpu.sem_alloc : memref<!tpu.dma_semaphore, #tpu.memory_space<semaphore_mem>>
      %dma_start3A_13 = tpu.memref_slice %arg2[%add3A_6] : memref<3276800xi32, #tpu.memory_space<hbm>> -> memref<10240xi32, #tpu.memory_space<hbm>>
      %dma_start3A_14 = tpu.memref_slice %arg2[%add3A_6] : memref<3276800xi32, #tpu.memory_space<hbm>> -> memref<10240xi32, #tpu.memory_space<hbm>>
      tpu.enqueue_dma source(%dma_start3A_14 : memref<10240xi32, #tpu.memory_space<hbm>>) target(%arg6 : memref<10240xi32, #tpu.memory_space<vmem>>) target_semaphore(%run_scoped3A : memref<!tpu.dma_semaphore, #tpu.memory_space<semaphore_mem>>)
      %dma_wait3A = tpu.memref_slice %arg2[%add3A_6] : memref<3276800xi32, #tpu.memory_space<hbm>> -> memref<10240xi32, #tpu.memory_space<hbm>>
      %dma_wait3A_15 = tpu.memref_slice %arg2[%add3A_6] : memref<3276800xi32, #tpu.memory_space<hbm>> -> memref<10240xi32, #tpu.memory_space<hbm>>
      tpu.wait_dma2 semaphore(%run_scoped3A : memref<!tpu.dma_semaphore, #tpu.memory_space<semaphore_mem>>) src(%dma_wait3A_15 : memref<10240xi32, #tpu.memory_space<hbm>>) dst(%arg6 : memref<10240xi32, #tpu.memory_space<vmem>>)
      tpu.yield
    }) : () -> ()
    %dma_start3A = arith.constant 0 : i32
    %dma_start3A_7 = tpu.memref_slice %arg11[%dma_start3A] : memref<1000000xf32, #tpu.memory_space<vmem_shared>> -> memref<1000000xf32, #tpu.memory_space<vmem_shared>>
    tpu.enqueue_indirect_dma source(%dma_start3A_7 : memref<1000000xf32, #tpu.memory_space<vmem_shared>>) target(%arg8 : memref<10240xf32, #tpu.memory_space<vmem>>) offsets(%arg6 : memref<10240xi32, #tpu.memory_space<vmem>>) semaphore(%arg12 : memref<!tpu.dma_semaphore, #tpu.memory_space<semaphore_mem>>)
    %scan3A = arith.constant 0 : i32
    %scan3A_8 = arith.constant 0 : i32
    %scan3A_9 = arith.constant 5 : i32
    %scan3A_10 = arith.addi %scan3A_8, %scan3A_9 : i32
    %scan3A_11 = arith.constant 1 : i32
    scf.for %scan3A_13 = %scan3A_8 to %scan3A_10 step %scan3A_11  : i32 {
      %mul3A_14 = arith.constant 2 : i32
      %mul3A_15 = arith.muli %mul3A_14, %scan3A_13 : i32
      %add3A_16 = arith.constant 1 : i32
      %add3A_17 = arith.addi %mul3A_15, %add3A_16 : i32
      %mul3A_18 = arith.constant 10240 : i32
      %mul3A_19 = arith.muli %add3A_17, %mul3A_18 : i32
      %add3A_20 = arith.addi %mul3A_2, %mul3A_19 : i32
      "tpu.region"() ({
        %run_scoped3A = tpu.sem_alloc : memref<!tpu.dma_semaphore, #tpu.memory_space<semaphore_mem>>
        %dma_start3A_51 = tpu.memref_slice %arg2[%add3A_20] : memref<3276800xi32, #tpu.memory_space<hbm>> -> memref<10240xi32, #tpu.memory_space<hbm>>
        %dma_start3A_52 = tpu.memref_slice %arg2[%add3A_20] : memref<3276800xi32, #tpu.memory_space<hbm>> -> memref<10240xi32, #tpu.memory_space<hbm>>
        tpu.enqueue_dma source(%dma_start3A_52 : memref<10240xi32, #tpu.memory_space<hbm>>) target(%arg7 : memref<10240xi32, #tpu.memory_space<vmem>>) target_semaphore(%run_scoped3A : memref<!tpu.dma_semaphore, #tpu.memory_space<semaphore_mem>>)
        %dma_wait3A_53 = tpu.memref_slice %arg2[%add3A_20] : memref<3276800xi32, #tpu.memory_space<hbm>> -> memref<10240xi32, #tpu.memory_space<hbm>>
        %dma_wait3A_54 = tpu.memref_slice %arg2[%add3A_20] : memref<3276800xi32, #tpu.memory_space<hbm>> -> memref<10240xi32, #tpu.memory_space<hbm>>
        tpu.wait_dma2 semaphore(%run_scoped3A : memref<!tpu.dma_semaphore, #tpu.memory_space<semaphore_mem>>) src(%dma_wait3A_54 : memref<10240xi32, #tpu.memory_space<hbm>>) dst(%arg7 : memref<10240xi32, #tpu.memory_space<vmem>>)
        tpu.yield
      }) : () -> ()
      %dma_start3A_21 = arith.constant 0 : i32
      %dma_start3A_22 = tpu.memref_slice %arg11[%dma_start3A_21] : memref<1000000xf32, #tpu.memory_space<vmem_shared>> -> memref<1000000xf32, #tpu.memory_space<vmem_shared>>
      tpu.enqueue_indirect_dma source(%dma_start3A_22 : memref<1000000xf32, #tpu.memory_space<vmem_shared>>) target(%arg9 : memref<10240xf32, #tpu.memory_space<vmem>>) offsets(%arg7 : memref<10240xi32, #tpu.memory_space<vmem>>) semaphore(%arg13 : memref<!tpu.dma_semaphore, #tpu.memory_space<semaphore_mem>>)
      %dma_wait3A = arith.constant 0 : i32
      %dma_wait3A_23 = tpu.memref_slice %arg11[%dma_wait3A] : memref<1000000xf32, #tpu.memory_space<vmem_shared>> -> memref<1000000xf32, #tpu.memory_space<vmem_shared>>
      tpu.wait_indirect_dma semaphore(%arg12 : memref<!tpu.dma_semaphore, #tpu.memory_space<semaphore_mem>>) src(%dma_wait3A_23 : memref<1000000xf32, #tpu.memory_space<vmem_shared>>) dst(%arg8 : memref<10240xf32, #tpu.memory_space<vmem>>)
      %mul3A_24 = arith.constant 10240 : i32
      %mul3A_25 = arith.muli %mul3A_15, %mul3A_24 : i32
      %add3A_26 = arith.addi %mul3A_2, %mul3A_25 : i32
      "tpu.region"() ({
        %run_scoped3A = tpu.sem_alloc : memref<!tpu.dma_semaphore, #tpu.memory_space<semaphore_mem>>
        %dma_start3A_51 = tpu.memref_slice %arg4[%add3A_26] : memref<3276800xf32, #tpu.memory_space<hbm>> -> memref<10240xf32, #tpu.memory_space<hbm>>
        %dma_start3A_52 = tpu.memref_slice %arg4[%add3A_26] : memref<3276800xf32, #tpu.memory_space<hbm>> -> memref<10240xf32, #tpu.memory_space<hbm>>
        tpu.enqueue_dma source(%arg8 : memref<10240xf32, #tpu.memory_space<vmem>>) target(%dma_start3A_52 : memref<10240xf32, #tpu.memory_space<hbm>>) target_semaphore(%run_scoped3A : memref<!tpu.dma_semaphore, #tpu.memory_space<semaphore_mem>>)
        %dma_wait3A_53 = tpu.memref_slice %arg4[%add3A_26] : memref<3276800xf32, #tpu.memory_space<hbm>> -> memref<10240xf32, #tpu.memory_space<hbm>>
        %dma_wait3A_54 = tpu.memref_slice %arg4[%add3A_26] : memref<3276800xf32, #tpu.memory_space<hbm>> -> memref<10240xf32, #tpu.memory_space<hbm>>
        tpu.wait_dma2 semaphore(%run_scoped3A : memref<!tpu.dma_semaphore, #tpu.memory_space<semaphore_mem>>) src(%arg8 : memref<10240xf32, #tpu.memory_space<vmem>>) dst(%dma_wait3A_54 : memref<10240xf32, #tpu.memory_space<hbm>>)
        tpu.yield
      }) : () -> ()
      %scan3A_27 = arith.constant 0 : i32
      %scan3A_28 = arith.constant 0 : i32
      %scan3A_29 = arith.constant 640 : i32
      %scan3A_30 = arith.addi %scan3A_28, %scan3A_29 : i32
      %scan3A_31 = arith.constant 4 : i32
      scf.for %scan3A_51 = %scan3A_28 to %scan3A_30 step %scan3A_31  : i32 {
        %mul3A_52 = arith.constant 16 : i32
        %mul3A_53 = arith.muli %scan3A_51, %mul3A_52 : i32
        %get3A = arith.index_cast %mul3A_53 : i32 to index
        %get3A_54 = tpu.vector_load %arg8[%get3A] {strides = array<i32>} : memref<10240xf32, #tpu.memory_space<vmem>>, vector<16xf32>,
        %get3A_55 = vector.shape_cast %get3A_54 : vector<16xf32> to vector<16xf32>
        %mul3A_56 = arith.mulf %get3A_55, %get3A_55 : vector<16xf32>
        %sub3A = arith.subf %get3A_55, %mul3A_56 : vector<16xf32>
        %mul3A_57 = arith.constant 16 : i32
        %mul3A_58 = arith.muli %scan3A_51, %mul3A_57 : i32
        %swap3A = arith.index_cast %mul3A_58 : i32 to index
        %swap3A_59 = tpu.vector_load %arg8[%swap3A] {strides = array<i32>} : memref<10240xf32, #tpu.memory_space<vmem>>, vector<16xf32>,
        %swap3A_60 = vector.shape_cast %swap3A_59 : vector<16xf32> to vector<16xf32>
        %swap3A_61 = vector.shape_cast %sub3A : vector<16xf32> to vector<16xf32>
        tpu.vector_store %arg8[%swap3A], %swap3A_61 {strides = array<i32>} : memref<10240xf32, #tpu.memory_space<vmem>>, vector<16xf32>,
        %scan3A_62 = arith.constant 1 : i32
        %scan3A_63 = arith.addi %scan3A_51, %scan3A_62 : i32
        %mul3A_64 = arith.constant 16 : i32
        %mul3A_65 = arith.muli %scan3A_63, %mul3A_64 : i32
        %get3A_66 = arith.index_cast %mul3A_65 : i32 to index
        %get3A_67 = tpu.vector_load %arg8[%get3A_66] {strides = array<i32>} : memref<10240xf32, #tpu.memory_space<vmem>>, vector<16xf32>,
        %get3A_68 = vector.shape_cast %get3A_67 : vector<16xf32> to vector<16xf32>
        %mul3A_69 = arith.mulf %get3A_68, %get3A_68 : vector<16xf32>
        %sub3A_70 = arith.subf %get3A_68, %mul3A_69 : vector<16xf32>
        %mul3A_71 = arith.constant 16 : i32
        %mul3A_72 = arith.muli %scan3A_63, %mul3A_71 : i32
        %swap3A_73 = arith.index_cast %mul3A_72 : i32 to index
        %swap3A_74 = tpu.vector_load %arg8[%swap3A_73] {strides = array<i32>} : memref<10240xf32, #tpu.memory_space<vmem>>, vector<16xf32>,
        %swap3A_75 = vector.shape_cast %swap3A_74 : vector<16xf32> to vector<16xf32>
        %swap3A_76 = vector.shape_cast %sub3A_70 : vector<16xf32> to vector<16xf32>
        tpu.vector_store %arg8[%swap3A_73], %swap3A_76 {strides = array<i32>} : memref<10240xf32, #tpu.memory_space<vmem>>, vector<16xf32>,
        %scan3A_77 = arith.constant 2 : i32
        %scan3A_78 = arith.addi %scan3A_51, %scan3A_77 : i32
        %mul3A_79 = arith.constant 16 : i32
        %mul3A_80 = arith.muli %scan3A_78, %mul3A_79 : i32
        %get3A_81 = arith.index_cast %mul3A_80 : i32 to index
        %get3A_82 = tpu.vector_load %arg8[%get3A_81] {strides = array<i32>} : memref<10240xf32, #tpu.memory_space<vmem>>, vector<16xf32>,
        %get3A_83 = vector.shape_cast %get3A_82 : vector<16xf32> to vector<16xf32>
        %mul3A_84 = arith.mulf %get3A_83, %get3A_83 : vector<16xf32>
        %sub3A_85 = arith.subf %get3A_83, %mul3A_84 : vector<16xf32>
        %mul3A_86 = arith.constant 16 : i32
        %mul3A_87 = arith.muli %scan3A_78, %mul3A_86 : i32
        %swap3A_88 = arith.index_cast %mul3A_87 : i32 to index
        %swap3A_89 = tpu.vector_load %arg8[%swap3A_88] {strides = array<i32>} : memref<10240xf32, #tpu.memory_space<vmem>>, vector<16xf32>,
        %swap3A_90 = vector.shape_cast %swap3A_89 : vector<16xf32> to vector<16xf32>
        %swap3A_91 = vector.shape_cast %sub3A_85 : vector<16xf32> to vector<16xf32>
        tpu.vector_store %arg8[%swap3A_88], %swap3A_91 {strides = array<i32>} : memref<10240xf32, #tpu.memory_space<vmem>>, vector<16xf32>,
        %scan3A_92 = arith.constant 3 : i32
        %scan3A_93 = arith.addi %scan3A_51, %scan3A_92 : i32
        %mul3A_94 = arith.constant 16 : i32
        %mul3A_95 = arith.muli %scan3A_93, %mul3A_94 : i32
        %get3A_96 = arith.index_cast %mul3A_95 : i32 to index
        %get3A_97 = tpu.vector_load %arg8[%get3A_96] {strides = array<i32>} : memref<10240xf32, #tpu.memory_space<vmem>>, vector<16xf32>,
        %get3A_98 = vector.shape_cast %get3A_97 : vector<16xf32> to vector<16xf32>
        %mul3A_99 = arith.mulf %get3A_98, %get3A_98 : vector<16xf32>
        %sub3A_100 = arith.subf %get3A_98, %mul3A_99 : vector<16xf32>
        %mul3A_101 = arith.constant 16 : i32
        %mul3A_102 = arith.muli %scan3A_93, %mul3A_101 : i32
        %swap3A_103 = arith.index_cast %mul3A_102 : i32 to index
        %swap3A_104 = tpu.vector_load %arg8[%swap3A_103] {strides = array<i32>} : memref<10240xf32, #tpu.memory_space<vmem>>, vector<16xf32>,
        %swap3A_105 = vector.shape_cast %swap3A_104 : vector<16xf32> to vector<16xf32>
        %swap3A_106 = vector.shape_cast %sub3A_100 : vector<16xf32> to vector<16xf32>
        tpu.vector_store %arg8[%swap3A_103], %swap3A_106 {strides = array<i32>} : memref<10240xf32, #tpu.memory_space<vmem>>, vector<16xf32>,
      }
      %scan3A_32 = arith.constant 640 : i32
      "tpu.region"() ({
        %run_scoped3A = tpu.sem_alloc : memref<!tpu.dma_semaphore, #tpu.memory_space<semaphore_mem>>
        %dma_start3A_51 = tpu.memref_slice %arg5[%add3A_26] : memref<3276800xf32, #tpu.memory_space<hbm>> -> memref<10240xf32, #tpu.memory_space<hbm>>
        %dma_start3A_52 = tpu.memref_slice %arg5[%add3A_26] : memref<3276800xf32, #tpu.memory_space<hbm>> -> memref<10240xf32, #tpu.memory_space<hbm>>
        tpu.enqueue_dma source(%arg8 : memref<10240xf32, #tpu.memory_space<vmem>>) target(%dma_start3A_52 : memref<10240xf32, #tpu.memory_space<hbm>>) target_semaphore(%run_scoped3A : memref<!tpu.dma_semaphore, #tpu.memory_space<semaphore_mem>>)
        %dma_wait3A_53 = tpu.memref_slice %arg5[%add3A_26] : memref<3276800xf32, #tpu.memory_space<hbm>> -> memref<10240xf32, #tpu.memory_space<hbm>>
        %dma_wait3A_54 = tpu.memref_slice %arg5[%add3A_26] : memref<3276800xf32, #tpu.memory_space<hbm>> -> memref<10240xf32, #tpu.memory_space<hbm>>
        tpu.wait_dma2 semaphore(%run_scoped3A : memref<!tpu.dma_semaphore, #tpu.memory_space<semaphore_mem>>) src(%arg8 : memref<10240xf32, #tpu.memory_space<vmem>>) dst(%dma_wait3A_54 : memref<10240xf32, #tpu.memory_space<hbm>>)
        tpu.yield
      }) : () -> ()
      %lt3A_33 = arith.constant 4 : i32
      %lt3A_34 = arith.cmpi slt, %scan3A_13, %lt3A_33 : i32
      %convert_element_type3A_35 = arith.extui %lt3A_34 : i1 to i32
      %cond3A_36 = arith.constant 0 : i32
      %cond3A_37 = arith.cmpi ne, %convert_element_type3A_35, %cond3A_36 : i32
      scf.if %cond3A_37 {
        %add3A_51 = arith.constant 2 : i32
        %add3A_52 = arith.addi %mul3A_15, %add3A_51 : i32
        %mul3A_53 = arith.constant 10240 : i32
        %mul3A_54 = arith.muli %add3A_52, %mul3A_53 : i32
        %add3A_55 = arith.addi %mul3A_2, %mul3A_54 : i32
        "tpu.region"() ({
          %run_scoped3A = tpu.sem_alloc : memref<!tpu.dma_semaphore, #tpu.memory_space<semaphore_mem>>
          %dma_start3A_58 = tpu.memref_slice %arg2[%add3A_55] : memref<3276800xi32, #tpu.memory_space<hbm>> -> memref<10240xi32, #tpu.memory_space<hbm>>
          %dma_start3A_59 = tpu.memref_slice %arg2[%add3A_55] : memref<3276800xi32, #tpu.memory_space<hbm>> -> memref<10240xi32, #tpu.memory_space<hbm>>
          tpu.enqueue_dma source(%dma_start3A_59 : memref<10240xi32, #tpu.memory_space<hbm>>) target(%arg6 : memref<10240xi32, #tpu.memory_space<vmem>>) target_semaphore(%run_scoped3A : memref<!tpu.dma_semaphore, #tpu.memory_space<semaphore_mem>>)
          %dma_wait3A_60 = tpu.memref_slice %arg2[%add3A_55] : memref<3276800xi32, #tpu.memory_space<hbm>> -> memref<10240xi32, #tpu.memory_space<hbm>>
          %dma_wait3A_61 = tpu.memref_slice %arg2[%add3A_55] : memref<3276800xi32, #tpu.memory_space<hbm>> -> memref<10240xi32, #tpu.memory_space<hbm>>
          tpu.wait_dma2 semaphore(%run_scoped3A : memref<!tpu.dma_semaphore, #tpu.memory_space<semaphore_mem>>) src(%dma_wait3A_61 : memref<10240xi32, #tpu.memory_space<hbm>>) dst(%arg6 : memref<10240xi32, #tpu.memory_space<vmem>>)
          tpu.yield
        }) : () -> ()
        %dma_start3A_56 = arith.constant 0 : i32
        %dma_start3A_57 = tpu.memref_slice %arg11[%dma_start3A_56] : memref<1000000xf32, #tpu.memory_space<vmem_shared>> -> memref<1000000xf32, #tpu.memory_space<vmem_shared>>
        tpu.enqueue_indirect_dma source(%dma_start3A_57 : memref<1000000xf32, #tpu.memory_space<vmem_shared>>) target(%arg8 : memref<10240xf32, #tpu.memory_space<vmem>>) offsets(%arg6 : memref<10240xi32, #tpu.memory_space<vmem>>) semaphore(%arg12 : memref<!tpu.dma_semaphore, #tpu.memory_space<semaphore_mem>>)
      } else {
      }
      %add3A_38 = arith.constant 1 : i32
      %add3A_39 = arith.addi %mul3A_15, %add3A_38 : i32
      %dma_wait3A_40 = arith.constant 0 : i32
      %dma_wait3A_41 = tpu.memref_slice %arg11[%dma_wait3A_40] : memref<1000000xf32, #tpu.memory_space<vmem_shared>> -> memref<1000000xf32, #tpu.memory_space<vmem_shared>>
      tpu.wait_indirect_dma semaphore(%arg13 : memref<!tpu.dma_semaphore, #tpu.memory_space<semaphore_mem>>) src(%dma_wait3A_41 : memref<1000000xf32, #tpu.memory_space<vmem_shared>>) dst(%arg9 : memref<10240xf32, #tpu.memory_space<vmem>>)
      %mul3A_42 = arith.constant 10240 : i32
      %mul3A_43 = arith.muli %add3A_39, %mul3A_42 : i32
      %add3A_44 = arith.addi %mul3A_2, %mul3A_43 : i32
      "tpu.region"() ({
        %run_scoped3A = tpu.sem_alloc : memref<!tpu.dma_semaphore, #tpu.memory_space<semaphore_mem>>
        %dma_start3A_51 = tpu.memref_slice %arg4[%add3A_44] : memref<3276800xf32, #tpu.memory_space<hbm>> -> memref<10240xf32, #tpu.memory_space<hbm>>
        %dma_start3A_52 = tpu.memref_slice %arg4[%add3A_44] : memref<3276800xf32, #tpu.memory_space<hbm>> -> memref<10240xf32, #tpu.memory_space<hbm>>
        tpu.enqueue_dma source(%arg9 : memref<10240xf32, #tpu.memory_space<vmem>>) target(%dma_start3A_52 : memref<10240xf32, #tpu.memory_space<hbm>>) target_semaphore(%run_scoped3A : memref<!tpu.dma_semaphore, #tpu.memory_space<semaphore_mem>>)
        %dma_wait3A_53 = tpu.memref_slice %arg4[%add3A_44] : memref<3276800xf32, #tpu.memory_space<hbm>> -> memref<10240xf32, #tpu.memory_space<hbm>>
        %dma_wait3A_54 = tpu.memref_slice %arg4[%add3A_44] : memref<3276800xf32, #tpu.memory_space<hbm>> -> memref<10240xf32, #tpu.memory_space<hbm>>
        tpu.wait_dma2 semaphore(%run_scoped3A : memref<!tpu.dma_semaphore, #tpu.memory_space<semaphore_mem>>) src(%arg9 : memref<10240xf32, #tpu.memory_space<vmem>>) dst(%dma_wait3A_54 : memref<10240xf32, #tpu.memory_space<hbm>>)
        tpu.yield
      }) : () -> ()
      %scan3A_45 = arith.constant 0 : i32
      %scan3A_46 = arith.constant 0 : i32
      %scan3A_47 = arith.constant 640 : i32
      %scan3A_48 = arith.addi %scan3A_46, %scan3A_47 : i32
      %scan3A_49 = arith.constant 4 : i32
      scf.for %scan3A_51 = %scan3A_46 to %scan3A_48 step %scan3A_49  : i32 {
        %mul3A_52 = arith.constant 16 : i32
        %mul3A_53 = arith.muli %scan3A_51, %mul3A_52 : i32
        %get3A = arith.index_cast %mul3A_53 : i32 to index
        %get3A_54 = tpu.vector_load %arg9[%get3A] {strides = array<i32>} : memref<10240xf32, #tpu.memory_space<vmem>>, vector<16xf32>,
        %get3A_55 = vector.shape_cast %get3A_54 : vector<16xf32> to vector<16xf32>
        %mul3A_56 = arith.mulf %get3A_55, %get3A_55 : vector<16xf32>
        %sub3A = arith.subf %get3A_55, %mul3A_56 : vector<16xf32>
        %mul3A_57 = arith.constant 16 : i32
        %mul3A_58 = arith.muli %scan3A_51, %mul3A_57 : i32
        %swap3A = arith.index_cast %mul3A_58 : i32 to index
        %swap3A_59 = tpu.vector_load %arg9[%swap3A] {strides = array<i32>} : memref<10240xf32, #tpu.memory_space<vmem>>, vector<16xf32>,
        %swap3A_60 = vector.shape_cast %swap3A_59 : vector<16xf32> to vector<16xf32>
        %swap3A_61 = vector.shape_cast %sub3A : vector<16xf32> to vector<16xf32>
        tpu.vector_store %arg9[%swap3A], %swap3A_61 {strides = array<i32>} : memref<10240xf32, #tpu.memory_space<vmem>>, vector<16xf32>,
        %scan3A_62 = arith.constant 1 : i32
        %scan3A_63 = arith.addi %scan3A_51, %scan3A_62 : i32
        %mul3A_64 = arith.constant 16 : i32
        %mul3A_65 = arith.muli %scan3A_63, %mul3A_64 : i32
        %get3A_66 = arith.index_cast %mul3A_65 : i32 to index
        %get3A_67 = tpu.vector_load %arg9[%get3A_66] {strides = array<i32>} : memref<10240xf32, #tpu.memory_space<vmem>>, vector<16xf32>,
        %get3A_68 = vector.shape_cast %get3A_67 : vector<16xf32> to vector<16xf32>
        %mul3A_69 = arith.mulf %get3A_68, %get3A_68 : vector<16xf32>
        %sub3A_70 = arith.subf %get3A_68, %mul3A_69 : vector<16xf32>
        %mul3A_71 = arith.constant 16 : i32
        %mul3A_72 = arith.muli %scan3A_63, %mul3A_71 : i32
        %swap3A_73 = arith.index_cast %mul3A_72 : i32 to index
        %swap3A_74 = tpu.vector_load %arg9[%swap3A_73] {strides = array<i32>} : memref<10240xf32, #tpu.memory_space<vmem>>, vector<16xf32>,
        %swap3A_75 = vector.shape_cast %swap3A_74 : vector<16xf32> to vector<16xf32>
        %swap3A_76 = vector.shape_cast %sub3A_70 : vector<16xf32> to vector<16xf32>
        tpu.vector_store %arg9[%swap3A_73], %swap3A_76 {strides = array<i32>} : memref<10240xf32, #tpu.memory_space<vmem>>, vector<16xf32>,
        %scan3A_77 = arith.constant 2 : i32
        %scan3A_78 = arith.addi %scan3A_51, %scan3A_77 : i32
        %mul3A_79 = arith.constant 16 : i32
        %mul3A_80 = arith.muli %scan3A_78, %mul3A_79 : i32
        %get3A_81 = arith.index_cast %mul3A_80 : i32 to index
        %get3A_82 = tpu.vector_load %arg9[%get3A_81] {strides = array<i32>} : memref<10240xf32, #tpu.memory_space<vmem>>, vector<16xf32>,
        %get3A_83 = vector.shape_cast %get3A_82 : vector<16xf32> to vector<16xf32>
        %mul3A_84 = arith.mulf %get3A_83, %get3A_83 : vector<16xf32>
        %sub3A_85 = arith.subf %get3A_83, %mul3A_84 : vector<16xf32>
        %mul3A_86 = arith.constant 16 : i32
        %mul3A_87 = arith.muli %scan3A_78, %mul3A_86 : i32
        %swap3A_88 = arith.index_cast %mul3A_87 : i32 to index
        %swap3A_89 = tpu.vector_load %arg9[%swap3A_88] {strides = array<i32>} : memref<10240xf32, #tpu.memory_space<vmem>>, vector<16xf32>,
        %swap3A_90 = vector.shape_cast %swap3A_89 : vector<16xf32> to vector<16xf32>
        %swap3A_91 = vector.shape_cast %sub3A_85 : vector<16xf32> to vector<16xf32>
        tpu.vector_store %arg9[%swap3A_88], %swap3A_91 {strides = array<i32>} : memref<10240xf32, #tpu.memory_space<vmem>>, vector<16xf32>,
        %scan3A_92 = arith.constant 3 : i32
        %scan3A_93 = arith.addi %scan3A_51, %scan3A_92 : i32
        %mul3A_94 = arith.constant 16 : i32
        %mul3A_95 = arith.muli %scan3A_93, %mul3A_94 : i32
        %get3A_96 = arith.index_cast %mul3A_95 : i32 to index
        %get3A_97 = tpu.vector_load %arg9[%get3A_96] {strides = array<i32>} : memref<10240xf32, #tpu.memory_space<vmem>>, vector<16xf32>,
        %get3A_98 = vector.shape_cast %get3A_97 : vector<16xf32> to vector<16xf32>
        %mul3A_99 = arith.mulf %get3A_98, %get3A_98 : vector<16xf32>
        %sub3A_100 = arith.subf %get3A_98, %mul3A_99 : vector<16xf32>
        %mul3A_101 = arith.constant 16 : i32
        %mul3A_102 = arith.muli %scan3A_93, %mul3A_101 : i32
        %swap3A_103 = arith.index_cast %mul3A_102 : i32 to index
        %swap3A_104 = tpu.vector_load %arg9[%swap3A_103] {strides = array<i32>} : memref<10240xf32, #tpu.memory_space<vmem>>, vector<16xf32>,
        %swap3A_105 = vector.shape_cast %swap3A_104 : vector<16xf32> to vector<16xf32>
        %swap3A_106 = vector.shape_cast %sub3A_100 : vector<16xf32> to vector<16xf32>
        tpu.vector_store %arg9[%swap3A_103], %swap3A_106 {strides = array<i32>} : memref<10240xf32, #tpu.memory_space<vmem>>, vector<16xf32>,
      }
      %scan3A_50 = arith.constant 640 : i32
      "tpu.region"() ({
        %run_scoped3A = tpu.sem_alloc : memref<!tpu.dma_semaphore, #tpu.memory_space<semaphore_mem>>
        %dma_start3A_51 = tpu.memref_slice %arg5[%add3A_44] : memref<3276800xf32, #tpu.memory_space<hbm>> -> memref<10240xf32, #tpu.memory_space<hbm>>
        %dma_start3A_52 = tpu.memref_slice %arg5[%add3A_44] : memref<3276800xf32, #tpu.memory_space<hbm>> -> memref<10240xf32, #tpu.memory_space<hbm>>
        tpu.enqueue_dma source(%arg9 : memref<10240xf32, #tpu.memory_space<vmem>>) target(%dma_start3A_52 : memref<10240xf32, #tpu.memory_space<hbm>>) target_semaphore(%run_scoped3A : memref<!tpu.dma_semaphore, #tpu.memory_space<semaphore_mem>>)
        %dma_wait3A_53 = tpu.memref_slice %arg5[%add3A_44] : memref<3276800xf32, #tpu.memory_space<hbm>> -> memref<10240xf32, #tpu.memory_space<hbm>>
        %dma_wait3A_54 = tpu.memref_slice %arg5[%add3A_44] : memref<3276800xf32, #tpu.memory_space<hbm>> -> memref<10240xf32, #tpu.memory_space<hbm>>
        tpu.wait_dma2 semaphore(%run_scoped3A : memref<!tpu.dma_semaphore, #tpu.memory_space<semaphore_mem>>) src(%arg9 : memref<10240xf32, #tpu.memory_space<vmem>>) dst(%dma_wait3A_54 : memref<10240xf32, #tpu.memory_space<hbm>>)
        tpu.yield
      }) : () -> ()
    }
    %scan3A_12 = arith.constant 5 : i32
    return
  }
}

</mosaic_0001>

<sc_bundles>
// kernel: kernel.3.cloned.1.call-start
scs
__scs_entry_jumppad:
0x0: {  	(pc) =	sbr.rel $0x88, $3  }
0x1: {  	(tag) =	ssettag $0x0;
	lr =	simm.s32 $0x1  }
0x2: {  	[smem:$0x3F9F] =	sst lr;
	_ =	strace $0xD0000000  }
0x3: {  	_ = 	snop  }
0x4: {  	_ = 	snop  }
0x5: {  	_ = 	snop  }
0x6: {  	_ = 	snop  }
0x7: {  	_ = 	snop  }
__scs_overlays_trampoline_lowered:
0x8: {  	[smem:$0x3FAE] =	sst s0  }
0x9: {  	[smem:$0x3FAF] =	sst s1  }
0xa: {  	[smem:$0x3FB0] =	sst s2  }
0xb: {  	[smem:$0x3FB1] =	sst s3  }
0xc: {  	[smem:$0x3FB2] =	sst s4  }
0xd: {  	[smem:$0x3FB3] =	sst s5  }
0xe: {  	[smem:$0x3FB4] =	sst s6  }
0xf: {  	[smem:$0x3FB5] =	sst s7  }
0x10: {  	[smem:$0x3FB6] =	sst s8  }
0x11: {  	[smem:$0x3FB7] =	sst s9;
	s0 =	simm.s32 @!p0 $0x0  }
0x12: {  	s1 =	sld [smem:$0x3F9D];
	s0 =	simm.s32 @p0 $0x1  }
0x13: {  	[smem:$0x3FB8] =	sst s0;
	s0 =	simm.s32 @!p1 $0x0  }
0x14: {  	s2 =	sld [smem:$0x3F9C];
	s0 =	simm.s32 @p1 $0x1  }
0x15: {  	[smem:$0x3FB9] =	sst s0;
	s0 =	simm.s32 @!p2 $0x0  }
0x16: {  	s3 =	sld [smem:$0x3FDB];
	s0 =	simm.s32 @p2 $0x1  }
0x17: {  	s4 =	simm.s32 $0x1BF5;
	[smem:$0x3FBB] =	sst s0  }
0x18: {  	s0 =	sld [smem:$0x3F9E];
	_ =	swait.ge [sflag:s4], $0x0  }
0x19: {  	s7 =	sld [smem:$0x3F9F]  }
0x1a: {  	s8 =	sadd.s32 $0xFFFFE003, lr  }
0x1b: {  	s9 =	sadd.s32 $0xFFFFFEF7, lr;
	s5 =	simm.s32 $0xFFFFFFFF;
	p2 =	slt.u32 s8, $0xFFFFF086  }
0x1c: {  	p1 =	slt.u32 s9, $0xF7A;
	s5 =	simm.s32 @!p2 $0x0  }
0x1d: {  	s5 =	simm.s32 @p1 $0x1;
	p0 =	seq.s32 s7, s2  }
0x1e: {  	s7 =	smul.u32 @!p0 $0xF7A, s2;
	p2 =	seq.s32 @!p0 s5, $0x0  }
0x1f: {  	s9 =	smul.u32 $0xF7A, s1;
	s8 =	simm.s32 @!p0 $0x1BF5;
	p2 =	por !p2, p0  }
0x20: {  	[sflag:s8] =	ssyncset.s32 @!p0 $0xFFFFF086;
	s6 =	sadd.s32 @!p0 s3, s7;
	s7 =	simm.s32 @!p0 $0x108  }
0x21: {  	s3 =	sadd.s32 s3, s9;
	s6 =	sadd.s32 @!p0 $0x88, s6;
	s7 =	simm.s32 @p2 $0x1082  }
0x22: {  	[simem:s7], [sflag:s8] =	dma.local @!p0 [hbm:s6], $0xF7A  }
0x23: {  	s9 =	sor.u32 $0xD0000000, s2;
	s6 =	simm.s32 $0x108;
	_ =	swait.ge @!p0 [sflag:s8], $0x0  }
0x24: {  	s3 =	sadd.s32 $0x88, s3;
	s6 =	simm.s32 @!p1 $0x1082;
	[sflag:s4] =	ssyncset.s32 $0xFFFFF086  }
0x25: {  	[simem:s6], [sflag:s4] =	dma.local [hbm:s3], $0xF7A  }
0x26: {  	[smem:$0x3F9F] =	sst s1;
	(tag) =	ssettag s2;
	_ =	strace s9  }
0x27: {  	s1 =	sld [smem:$0x3FAF]  }
0x28: {  	s2 =	sld [smem:$0x3FB0]  }
0x29: {  	s4 =	sld [smem:$0x3FB2]  }
0x2a: {  	p0 =	seq.s32 s5, $0x0;
	s5 =	sld [smem:$0x3FB3]  }
0x2b: {  	s6 =	sld [smem:$0x3FB4]  }
0x2c: {  	s7 =	sld [smem:$0x3FB5]  }
0x2d: {  	s3 =	simm.s32 $0x108;
	s8 =	sld [smem:$0x3FB6]  }
0x2e: {  	s3 =	simm.s32 @!p0 $0x1082;
	s9 =	sld [smem:$0x3FB7]  }
0x2f: {  	lr =	sadd.s32 s0, s3;
	s0 =	sld [smem:$0x3FAE]  }
0x30: {  	s3 =	sld [smem:$0x3FB1]  }
0x31: {  	[smem:$0x3FBA] =	sst s10  }
0x32: {  	s10 =	sld [smem:$0x3FB8];
	_ =	sdelay $0x3  }
0x33: {  	p0 =	seq.s32 s10, $0x1;
	s10 =	sld [smem:$0x3FBA];
	_ =	sdelay $0x3  }
0x34: {  	[smem:$0x3FBA] =	sst s10  }
0x35: {  	s10 =	sld [smem:$0x3FB9];
	_ =	sdelay $0x3  }
0x36: {  	p1 =	seq.s32 s10, $0x1;
	s10 =	sld [smem:$0x3FBA];
	_ =	sdelay $0x3  }
0x37: {  	[smem:$0x3FBA] =	sst s10  }
0x38: {  	s10 =	sld [smem:$0x3FBB]  }
0x39: {  	_ = 	snop;
	(pc) =	sbr.ind lr, $3  }
0x3a: {  	_ = 	snop  }
0x3b: {  	_ = 	snop  }
0x3c: {  	p2 =	seq.s32 s10, $0x1;
	s10 =	sld [smem:$0x3FBA]  }
0x3d: {  	_ =	shalt  }
0x3e: {  	_ =	shalt  }
0x3f: {  	_ =	shalt  }
0x40: {  	_ =	shalt  }
0x41: {  	_ =	shalt  }
0x42: {  	_ =	shalt  }
0x43: {  	_ =	shalt  }
0x44: {  	_ =	shalt  }
0x45: {  	_ =	shalt  }
0x46: {  	_ =	shalt  }
0x47: {  	_ =	shalt  }
0x48: {  	_ =	shalt  }
0x49: {  	_ =	shalt  }
0x4a: {  	_ =	shalt  }
0x4b: {  	_ =	shalt  }
0x4c: {  	_ =	shalt  }
0x4d: {  	_ =	shalt  }
0x4e: {  	_ =	shalt  }
0x4f: {  	_ =	shalt  }
0x50: {  	_ =	shalt  }
0x51: {  	_ =	shalt  }
0x52: {  	_ =	shalt  }
0x53: {  	_ =	shalt  }
0x54: {  	_ =	shalt  }
0x55: {  	_ =	shalt  }
0x56: {  	_ =	shalt  }
0x57: {  	_ =	shalt  }
0x58: {  	_ =	shalt  }
0x59: {  	_ =	shalt  }
0x5a: {  	_ =	shalt  }
0x5b: {  	_ =	shalt  }
0x5c: {  	_ =	shalt  }
0x5d: {  	_ =	shalt  }
0x5e: {  	_ =	shalt  }
0x5f: {  	_ =	shalt  }
0x60: {  	_ =	shalt  }
0x61: {  	_ =	shalt  }
0x62: {  	_ =	shalt  }
0x63: {  	_ =	shalt  }
0x64: {  	_ =	shalt  }
0x65: {  	_ =	shalt  }
0x66: {  	_ =	shalt  }
0x67: {  	_ =	shalt  }
0x68: {  	_ =	shalt  }
0x69: {  	_ =	shalt  }
0x6a: {  	_ =	shalt  }
0x6b: {  	_ =	shalt  }
0x6c: {  	_ =	shalt  }
0x6d: {  	_ =	shalt  }
0x6e: {  	_ =	shalt  }
0x6f: {  	_ =	shalt  }
0x70: {  	_ =	shalt  }
0x71: {  	_ =	shalt  }
0x72: {  	_ =	shalt  }
0x73: {  	_ =	shalt  }
0x74: {  	_ =	shalt  }
0x75: {  	_ =	shalt  }
0x76: {  	_ =	shalt  }
0x77: {  	_ =	shalt  }
0x78: {  	_ =	shalt  }
0x79: {  	_ =	shalt  }
0x7a: {  	_ =	shalt  }
0x7b: {  	_ =	shalt  }
0x7c: {  	_ =	shalt  }
0x7d: {  	_ =	shalt  }
0x7e: {  	_ =	shalt  }
0x7f: {  	_ =	shalt  }
0x80: {  	_ =	shalt  }
0x81: {  	_ =	shalt  }
0x82: {  	_ =	shalt  }
0x83: {  	_ =	shalt  }
0x84: {  	_ =	shalt  }
0x85: {  	_ =	shalt  }
0x86: {  	_ =	shalt  }
0x87: {  	_ =	shalt  }
.Lfunc_end0:
.L_simem_size_0:
called_computation_lowered:
.L_overlay_start_0:
0x88: {  	s2 =	sld [smem:$0x3FD9]  }
0x89: {  	s3 =	sld [smem:$0x3FFE];
	_ =	sdelay $0x1  }
0x8a: {  	s1 =	srdreg.scid  }
0x8b: {  	s0 =	sand.u32 $0x1, s1  }
0x8c: {  	s14 =	sshll.u32 s0, $0xA;
	s2 =	sadd.s32 s3, s2  }
0x8d: {  	s2 =	sadd.s32 s2, s14  }
0x8e: {  	[smem:$0x3FC6] =	sst s2  }
0x8f: {  	_ = 	snop  }
0x90: {  	s2 =	sld [smem:$0x3FD0];
	_ =	sdelay $0x2  }
0x91: {  	s4 =	simm.s32 $0xA;
	s5 =	simm.s32 $0x10;
	s15 =	sld [smem:$0x3FC8]  }
0x92: {  	[smem:s5], [sflag:s4] =	dma.local [hbm:s2], $0x1  }
0x93: {  	_ =	swait.eq [sflag:s4], $0x1  }
0x94: {  	[sflag:s4] =	ssyncset.done $0x0  }
0x95: {  	s16 =	sld [smem:$0x10];
	[sflag:s4] =	ssyncadd.s32 $0xFFFFFFFF  }
0x96: {  	s17 =	sld [smem:$0x11];
	(tm) =	ssettm $0x1  }
0x97: {  	s18 =	sld [smem:$0x3FFB];
	_ =	sdelay $0x3  }
0x98: {  	_ =	strace s18  }
0x99: {  	s5 =	sld [smem:$0x3FFC];
	_ =	sdelay $0x3  }
0x9a: {  	_ =	strace s5  }
0x9b: {  	s5 =	sld [smem:$0x3FFD];
	_ =	sdelay $0x3  }
0x9c: {  	_ =	strace s5  }
0x9d: {  	_ =	strace $0x8FFFFFFF  }
0x9e: {  	s19 =	sld [smem:$0x3FDB];
	_ =	sdelay $0x1  }
0x9f: {  	s6 =	simm.s32 $_scs_section_size  }
0xa0: {  	s7 =	simm.s32 $_size__tile_overlayer_lowered;
	s8 =	simm.s32 $_tile_overlayer_lowered  }
0xa1: {  	s22 =	simm.s32 $0x1BFF;
	s21 =	sshll.u32 s8, $0x1;
	s5 =	sadd.s32 s6, s19  }
0xa2: {  	s9 =	simm.s32 $0x0;
	s20 =	sshll.u32 s7, $0x1;
	s7 =	sadd.s32 s21, s5  }
0xa3: {  	[timem:s9], [sflag:s22] =	dma.local [hbm:s7], s20  }
0xa4: {  	_ =	swait.ge [sflag:s22], s20  }
0xa5: {  	s6 =	ssub.s32 $0x0, s20;
	[sflag:s22] =	ssyncset.done $0x0  }
0xa6: {  	[sflag:s22] =	ssyncadd.s32 s6;
	_ =	sdelay $0x1  }
0xa7: {  	s23 =	simm.s32 $0x1B8B  }
0xa8: {  	_ =	swait.ge [sflag:s23], $0x1  }
0xa9: {  	[sflag:s23] =	ssyncset.done $0x0  }
0xaa: {  	s25 =	simm.s32 $0x1B8E;
	s24 =	sld [smem:$0x3FFE];
	[sflag:s23] =	ssyncadd.s32 $0xFFFFFFFF  }
0xab: {  	s26 =	simm.s32 $execute0_lowered;
	[smem:$0x3FD2] =	sst s25  }
0xac: {  	s7 =	sshll.u32 s26, $0x1;
	_ =	strace $0x80000046;
	[dreg:$0x1] =	wrdreg $0xFFFFFFFF  }
0xad: {  	s28 =	simm.s32 $_size_execute0_lowered;
	s5 =	sadd.s32 s5, s7;
	[dreg:$0x0] =	wrdreg $0x0  }
0xae: {  	s7 =	sshll.u32 s28, $0x1;
	[dreg:$0x2] =	wrdreg s5  }
0xaf: {  	[dreg:$0x3] =	wrdreg s7  }
0xb0: {  	[dreg:$0x4] =	wrdreg $0xC0  }
0xb1: {  	_ =	task [dreg:s9], $0x5FFFF  }
0xb2: {  	[dreg:$0x1] =	wrdreg $0xFFFFFFFF  }
0xb3: {  	[dreg:$0x0] =	wrdreg $0x60  }
0xb4: {  	[dreg:$0x2] =	wrdreg s24  }
0xb5: {  	[dreg:$0x3] =	wrdreg s15  }
0xb6: {  	[dreg:$0x4] =	wrdreg s16  }
0xb7: {  	[dreg:$0x5] =	wrdreg s17  }
0xb8: {  	[dreg:$0x6] =	wrdreg $0x102000  }
0xb9: {  	[dreg:$0x7] =	wrdreg $0x9  }
0xba: {  	_ =	task.clear_ibuf [dreg:s9], $0x8FFFF;
	_ =	strace $0x90000046  }
0xbb: {  	s29 =	simm.s32 $0x9;
	_ =	strace $0x80000048  }
0xbc: {  	_ =	swait.ge [sflag:s29], $0x1  }
0xbd: {  	[sflag:s29] =	ssyncadd.s32 $0xFFFFFFFF  }
0xbe: {  	_ =	strace $0x90000048  }
0xbf: {  	_ =	sfence  }
0xc0: {  	s30 =	sld [smem:$0x0];
	_ =	sdelay $0x2  }
0xc1: {  	s31 =	sshll.u32 s1, $0xD;
	s1 =	sshrl.u32 s1, $0x2  }
0xc2: {  	s3 =	sand.u32 $0x4000, s31;
	s1 =	sadd.s32 s1, s30  }
0xc3: {  	s0 =	sor.u32 s3, s0;
	s1 =	sshll.u32 s1, $0x11  }
0xc4: {  	s0 =	sor.u32 s1, s0  }
0xc5: {  	s0 =	sadd.s32 $0x8F2B, s0  }
0xc6: {  	[sflag:s0] =	ssyncadd.remote.s32 $0x1  }
0xc7: {  	_ =	sfence.sel $0xFFFF  }
0xc8: {  	[dreg:$0x0] =	wrdreg $0xFFFFFFFF;
	(pc) =	sbr.abs _section_cstart, $3  }
0xc9: {  	[dreg:$0x1] =	wrdreg $0xFFFFFFFF  }
0xca: {  	_ =	task.clear_ibuf [dreg:s9], $0x2FFFF;
	_ =	strace $0x9FFFFFFF  }
0xcb: {  	(tm) =	ssettm $0x7FFFFFFF  }
tec
execute0_lowered:
.L_overlay_start_1:
0x0: {  	(tag) =	ssettag $0x1  }
0x1: {  	s0 =	rddreg [dreg:$0x0]  }
0x2: {  	s2 =	rddreg [dreg:$0x1]  }
0x3: {  	s1 =	rddreg [dreg:$0x2];
	s4 =	srdreg.scid  }
0x4: {  	s22 =	stileid.u32;
	s3 =	rddreg [dreg:$0x3]  }
0x5: {  	s28 =	simm.s32 $0x2;
	s29 =	simm.s32 $0x0;
	s8 =	sand.u32 $0x1, s4  }
0x6: {  	s5 =	sshll.u32 s22, $0x1;
	s4 =	rddreg [dreg:$0x4];
	s7 =	sadd.s32 $0x600, s0  }
0x7: {  	s11 =	smul.u32 $0x1E848, s22;
	p0 =	sgt.u32 s22, $0x7;
	s22 =	simm.s32 $0x3  }
0x8: {  	s6 =	sor.u32 s8, s5;
	s5 =	simm.s32 $0x0;
	s17 =	ssub.s32 $0x2, s8  }
0x9: {  	s6 =	smul.u32 $0x19000, s6;
	[smem:$0x7FF] =	sst s5;
	s8 =	sshrl.u32 s17, $0x1  }
0xa: {  	s19 =	sshrl.u32 s11, $0x3;
	s21 =	sadd.s32 $0x61A8, s11;
	s13 =	sadd.s32 s11, s4  }
0xb: {  	s12 =	sadd.s32 $0xC350, s11;
	s25 =	sadd.s32 $0x124F8, s11;
	s26 =	sadd.s32 $0x186A0, s11  }
0xc: {  	_ =	strace $0x80000047;
	s0 =	ssub.s32 s17, s8;
	s20 =	sadd.s32 s2, s19  }
0xd: {  	s23 =	sshrl.u32 s21, $0x3;
	s15 =	sadd.s32 s21, s4;
	s24 =	sshrl.u32 s12, $0x3  }
0xe: {  	s17 =	sadd.s32 s12, s4;
	s30 =	sshrl.u32 s25, $0x3;
	s31 =	sshrl.u32 s26, $0x3  }
0xf: {  	s19 =	sadd.s32 s25, s4;
	s21 =	sadd.s32 s26, s4;
	s25 =	simm.s32 $0x7800  }
0x10: {  	s26 =	simm.s32 $0x1;
	s9 =	sshrl.u32 s6, $0x3;
	s10 =	sadd.s32 $0x5000, s6  }
0x11: {  	s0 =	smax.u32 s0, $0x1;
	[dreg:$0x8] =	wrdreg s20;
	s14 =	sadd.s32 s2, s23  }
0x12: {  	s16 =	sadd.s32 s2, s24;
	s20 =	sadd.s32 s2, s31;
	s23 =	simm.s32 $0x2800  }
0x13: {  	s24 =	simm.s32 $0x5000;
	s18 =	sadd.s32 s7, s9;
	[dreg:$0x7] =	wrdreg s0  }
0x14: {  	s9 =	sadd.s32 $0x2800, s6;
	[dreg:$0x6] =	wrdreg s18;
	s18 =	sadd.s32 s2, s30  }
.LBB2_1:
0x15: {  	s0 =	simm.s32 @!p0 $0x0;
	s2 =	simm.s32 @!p0 $0xA000;
	s8 =	rddreg [dreg:$0x8]  }
0x16: {  	[tilespmem:s2], [sflag:$0x3] =	stream.linear.gather @!p0 [hbm4b:s8+s0], $0x61A8, $0x38;
	[tilespmem:$0x1F628] =	vst v63  }
0x17: {  	s8 =	simm.s32 @!p0 $0x3  }
0x18: {  	_ =	swait.ge @!p0 [sflag:s8], $0x61A8  }
0x19: {  	[sflag:s8] =	ssyncset.done @!p0 $0x0  }
0x1a: {  	[sflag:s8] =	ssyncadd.s32 @!p0 $0xFFFF9E58  }
0x1b: {  	[spmem:s13] =	stream.linear.scatter @!p0 [tilespmem:s2], [sflag:$0x3], $0x61A8, $0x38;
	[tilespmem:$0x1F628] =	vst v63  }
0x1c: {  	_ =	swait.ge @!p0 [sflag:s8], $0x61A8  }
0x1d: {  	[sflag:s8] =	ssyncset.done @!p0 $0x0  }
0x1e: {  	[sflag:s8] =	ssyncadd.s32 @!p0 $0xFFFF9E58  }
0x1f: {  	[tilespmem:s2], [sflag:$0x3] =	stream.linear.gather @!p0 [hbm4b:s14+s0], $0x61A8, $0x38;
	[tilespmem:$0x1F628] =	vst v63  }
0x20: {  	_ =	swait.ge @!p0 [sflag:s8], $0x61A8  }
0x21: {  	[sflag:s8] =	ssyncset.done @!p0 $0x0  }
0x22: {  	[sflag:s8] =	ssyncadd.s32 @!p0 $0xFFFF9E58  }
0x23: {  	[spmem:s15] =	stream.linear.scatter @!p0 [tilespmem:s2], [sflag:$0x3], $0x61A8, $0x38;
	[tilespmem:$0x1F628] =	vst v63  }
0x24: {  	_ =	swait.ge @!p0 [sflag:s8], $0x61A8  }
0x25: {  	[sflag:s8] =	ssyncset.done @!p0 $0x0  }
0x26: {  	[sflag:s8] =	ssyncadd.s32 @!p0 $0xFFFF9E58  }
0x27: {  	[tilespmem:s2], [sflag:$0x3] =	stream.linear.gather @!p0 [hbm4b:s16+s0], $0x61A8, $0x38;
	[tilespmem:$0x1F628] =	vst v63  }
0x28: {  	_ =	swait.ge @!p0 [sflag:s8], $0x61A8  }
0x29: {  	[sflag:s8] =	ssyncset.done @!p0 $0x0  }
0x2a: {  	[sflag:s8] =	ssyncadd.s32 @!p0 $0xFFFF9E58  }
0x2b: {  	[spmem:s17] =	stream.linear.scatter @!p0 [tilespmem:s2], [sflag:$0x3], $0x61A8, $0x38;
	[tilespmem:$0x1F628] =	vst v63  }
0x2c: {  	_ =	swait.ge @!p0 [sflag:s8], $0x61A8  }
0x2d: {  	[sflag:s8] =	ssyncset.done @!p0 $0x0  }
0x2e: {  	[sflag:s8] =	ssyncadd.s32 @!p0 $0xFFFF9E58  }
0x2f: {  	[tilespmem:s2], [sflag:$0x3] =	stream.linear.gather @!p0 [hbm4b:s18+s0], $0x61A8, $0x38;
	[tilespmem:$0x1F628] =	vst v63  }
0x30: {  	_ =	swait.ge @!p0 [sflag:s8], $0x61A8  }
0x31: {  	[sflag:s8] =	ssyncset.done @!p0 $0x0  }
0x32: {  	[sflag:s8] =	ssyncadd.s32 @!p0 $0xFFFF9E58  }
0x33: {  	[spmem:s19] =	stream.linear.scatter @!p0 [tilespmem:s2], [sflag:$0x3], $0x61A8, $0x38;
	[tilespmem:$0x1F628] =	vst v63  }
0x34: {  	_ =	swait.ge @!p0 [sflag:s8], $0x61A8  }
0x35: {  	[sflag:s8] =	ssyncset.done @!p0 $0x0  }
0x36: {  	[sflag:s8] =	ssyncadd.s32 @!p0 $0xFFFF9E58  }
0x37: {  	[tilespmem:s2], [sflag:$0x3] =	stream.linear.gather @!p0 [hbm4b:s20+s0], $0x61A8, $0x38;
	[tilespmem:$0x1F628] =	vst v63  }
0x38: {  	_ =	swait.ge @!p0 [sflag:s8], $0x61A8  }
0x39: {  	[sflag:s8] =	ssyncset.done @!p0 $0x0  }
0x3a: {  	[sflag:s8] =	ssyncadd.s32 @!p0 $0xFFFF9E58  }
0x3b: {  	[spmem:s21] =	stream.linear.scatter @!p0 [tilespmem:s2], [sflag:$0x3], $0x61A8, $0x38;
	[tilespmem:$0x1F628] =	vst v63  }
0x3c: {  	_ =	swait.ge @!p0 [sflag:s8], $0x61A8  }
0x3d: {  	[sflag:s8] =	ssyncset.done @!p0 $0x0  }
0x3e: {  	[sflag:s8] =	ssyncadd.s32 @!p0 $0xFFFF9E58  }
0x3f: {  	[bflag:$0x0] =	sbarrier.arrive $0xFFFF  }
0x40: {  	s31 =	rddreg [dreg:$0x6]  }
0x41: {  	[tilespmem:s5], [sflag:$0x3] =	stream.linear.gather [hbm4b:s31+s5], $0x2800, $0x38;
	[tilespmem:$0x1F628] =	vst v63  }
0x42: {  	_ =	swait.ge [sflag:s22], $0x2800  }
0x43: {  	[sflag:s22] =	ssyncset.done $0x0  }
0x44: {  	s30 =	simm.s32 $0x0;
	[sflag:s22] =	ssyncadd.s32 $0xFFFFD800  }
0x45: {  	[tilespmem:s24], [sflag:$0x1] =	stream.indirect.gather [spmem:s4], $0x1, s5, s23, $0xb8;
	[tilespmem:$0x1F628] =	vst v63  }
.LBB2_2:
0x46: {  	s2 =	smul.u32 $0x5000, s30;
	_ =	sdelay $0x1  }
0x47: {  	s0 =	sadd.s32 s2, s9  }
0x48: {  	s31 =	sshrl.u32 s0, $0x3  }
0x49: {  	s0 =	sadd.s32 s7, s31  }
0x4a: {  	[tilespmem:s23], [sflag:$0x3] =	stream.linear.gather [hbm4b:s0+s5], $0x2800, $0x38;
	[tilespmem:$0x1F628] =	vst v63  }
0x4b: {  	_ =	swait.ge [sflag:s22], $0x2800  }
0x4c: {  	[sflag:s22] =	ssyncset.done $0x0  }
0x4d: {  	[sflag:s22] =	ssyncadd.s32 $0xFFFFD800  }
0x4e: {  	[tilespmem:s25], [sflag:$0x2] =	stream.indirect.gather [spmem:s4], $0x1, s23, s23, $0xb8;
	[tilespmem:$0x1F628] =	vst v63  }
0x4f: {  	s12 =	sadd.s32 s6, s2;
	_ =	swait.ge [sflag:s26], $0x2800  }
0x50: {  	s0 =	sshrl.u32 s12, $0x3;
	[sflag:s26] =	ssyncset.done $0x0  }
0x51: {  	s8 =	sadd.s32 s1, s0;
	[sflag:s26] =	ssyncadd.s32 $0xFFFFD800  }
0x52: {  	[hbm4b:s8+s5] =	stream.linear.scatter [tilespmem:s24], [sflag:$0x3], $0x2800, $0x38;
	[tilespmem:$0x1F628] =	vst v63  }
0x53: {  	_ =	swait.ge [sflag:s22], $0x2800  }
0x54: {  	[sflag:s22] =	ssyncset.done $0x0  }
0x55: {  	s8 =	simm.s32 $0x5020;
	[sflag:s22] =	ssyncadd.s32 $0xFFFFD800  }
0x56: {  	v1 =	vld [tilespmem:s8+$0xFFFFFFE0]  }
0x57: {  	v2 =	vld [tilespmem:s8+$0x0]  }
0x58: {  	v3 =	vld [tilespmem:s8+$0x10]  }
0x59: {  	v0 =	vld [tilespmem:s8+$0xFFFFFFF0];
	_ =	sdelay $0x1  }
0x5a: {  	v4 =	vmul.f32 v1, v1  }
0x5b: {  	v5 =	vmul.f32 v2, v2  }
0x5c: {  	v6 =	vmul.f32 v3, v3;
	v4 =	vsub.f32 v1, v4  }
0x5d: {  	v1 =	vmul.f32 v0, v0;
	v2 =	vsub.f32 v2, v5  }
0x5e: {  	s11 =	simm.s32 $0x0;
	s12 =	simm.s32 $0x5060;
	v3 =	vsub.f32 v3, v6;
	[tilespmem:s8+$0xFFFFFFE0] =	vst v4  }
.LBB2_3:
0x5f: {  	v4 =	vld [tilespmem:s12+$0xFFFFFFE0];
	v0 =	vsub.f32 v0, v1;
	[tilespmem:s8+$0x0] =	vst v2  }
0x60: {  	v2 =	vld [tilespmem:s12+$0x0];
	[tilespmem:s8+$0x10] =	vst v3  }
0x61: {  	s11 =	sadd.s32 $0x4, s11;
	v3 =	vld [tilespmem:s12+$0x10];
	[tilespmem:s8+$0xFFFFFFF0] =	vst v0;
	s8 =	smov.u32 s12  }
0x62: {  	p1 =	slt.u32 s11, $0x27C;
	v0 =	vld [tilespmem:s12+$0xFFFFFFF0];
	_ =	sdelay $0x1  }
.Ltmp0:
0x63: {  	v1 =	vmul.f32 v4, v4;
	(pc) =	sbr.rel @p1 .LBB2_3-.Ltmp0, $4  }
0x64: {  	v5 =	vmul.f32 v2, v2  }
0x65: {  	v4 =	vsub.f32 v4, v1;
	v6 =	vmul.f32 v3, v3  }
0x66: {  	v1 =	vmul.f32 v0, v0;
	v2 =	vsub.f32 v2, v5  }
0x67: {  	s12 =	sadd.s32 $0x40, s12;
	[tilespmem:s8+$0xFFFFFFE0] =	vst v4;
	v3 =	vsub.f32 v3, v6  }
0x68: {  	v0 =	vsub.f32 v0, v1;
	[tilespmem:s8+$0x0] =	vst v2  }
0x69: {  	[tilespmem:s8+$0x10] =	vst v3  }
0x6a: {  	s0 =	sadd.s32 s3, s0;
	p1 =	seq.s32 s30, $0x4;
	[tilespmem:s8+$0xFFFFFFF0] =	vst v0  }
0x6b: {  	[hbm4b:s0+s5] =	stream.linear.scatter [tilespmem:s24], [sflag:$0x3], $0x2800, $0x38;
	[tilespmem:$0x1F628] =	vst v63  }
0x6c: {  	s0 =	sadd.s32 @!p1 s2, s10;
	_ =	swait.ge [sflag:s22], $0x2800  }
0x6d: {  	s0 =	sshrl.u32 @!p1 s0, $0x3;
	[sflag:s22] =	ssyncset.done $0x0  }
0x6e: {  	s2 =	simm.s32 @!p1 $0x0;
	s0 =	sadd.s32 @!p1 s7, s0;
	[sflag:s22] =	ssyncadd.s32 $0xFFFFD800  }
0x6f: {  	[tilespmem:s2], [sflag:$0x3] =	stream.linear.gather @!p1 [hbm4b:s0+s2], $0x2800, $0x38;
	[tilespmem:$0x1F628] =	vst v63  }
0x70: {  	s0 =	simm.s32 @!p1 $0x3  }
0x71: {  	_ =	swait.ge @!p1 [sflag:s0], $0x2800  }
0x72: {  	[sflag:s0] =	ssyncset.done @!p1 $0x0  }
0x73: {  	s8 =	simm.s32 @!p1 $0x5000;
	[sflag:s0] =	ssyncadd.s32 @!p1 $0xFFFFD800;
	s0 =	simm.s32 @!p1 $0x2800  }
0x74: {  	[tilespmem:s8], [sflag:$0x1] =	stream.indirect.gather @!p1 [spmem:s4], $0x1, s2, s0, $0xb8;
	[tilespmem:$0x1F628] =	vst v63  }
0x75: {  	_ =	swait.ge [sflag:s28], $0x2800  }
0x76: {  	[sflag:s28] =	ssyncset.done $0x0  }
0x77: {  	s12 =	sadd.s32 s1, s31;
	[sflag:s28] =	ssyncadd.s32 $0xFFFFD800  }
0x78: {  	[hbm4b:s12+s5] =	stream.linear.scatter [tilespmem:s25], [sflag:$0x3], $0x2800, $0x38;
	[tilespmem:$0x1F628] =	vst v63  }
0x79: {  	_ =	swait.ge [sflag:s22], $0x2800  }
0x7a: {  	[sflag:s22] =	ssyncset.done $0x0  }
0x7b: {  	s0 =	simm.s32 $0x7820;
	[sflag:s22] =	ssyncadd.s32 $0xFFFFD800  }
0x7c: {  	v1 =	vld [tilespmem:s0+$0xFFFFFFE0]  }
0x7d: {  	v2 =	vld [tilespmem:s0+$0x0]  }
0x7e: {  	v3 =	vld [tilespmem:s0+$0x10]  }
0x7f: {  	v0 =	vld [tilespmem:s0+$0xFFFFFFF0];
	_ =	sdelay $0x1  }
0x80: {  	v4 =	vmul.f32 v1, v1  }
0x81: {  	v5 =	vmul.f32 v2, v2  }
0x82: {  	v6 =	vmul.f32 v3, v3;
	v4 =	vsub.f32 v1, v4  }
0x83: {  	v1 =	vmul.f32 v0, v0;
	v2 =	vsub.f32 v2, v5  }
0x84: {  	s2 =	simm.s32 $0x0;
	s8 =	simm.s32 $0x7860;
	v3 =	vsub.f32 v3, v6;
	[tilespmem:s0+$0xFFFFFFE0] =	vst v4  }
.LBB2_5:
0x85: {  	v4 =	vld [tilespmem:s8+$0xFFFFFFE0];
	v0 =	vsub.f32 v0, v1;
	[tilespmem:s0+$0x0] =	vst v2  }
0x86: {  	v2 =	vld [tilespmem:s8+$0x0];
	[tilespmem:s0+$0x10] =	vst v3  }
0x87: {  	s2 =	sadd.s32 $0x4, s2;
	v3 =	vld [tilespmem:s8+$0x10];
	[tilespmem:s0+$0xFFFFFFF0] =	vst v0;
	s0 =	smov.u32 s8  }
0x88: {  	p1 =	slt.u32 s2, $0x27C;
	v0 =	vld [tilespmem:s8+$0xFFFFFFF0];
	_ =	sdelay $0x1  }
.Ltmp1:
0x89: {  	v1 =	vmul.f32 v4, v4;
	(pc) =	sbr.rel @p1 .LBB2_5-.Ltmp1, $4  }
0x8a: {  	v5 =	vmul.f32 v2, v2  }
0x8b: {  	v4 =	vsub.f32 v4, v1;
	v6 =	vmul.f32 v3, v3  }
0x8c: {  	v1 =	vmul.f32 v0, v0;
	v2 =	vsub.f32 v2, v5  }
0x8d: {  	s8 =	sadd.s32 $0x40, s8;
	[tilespmem:s0+$0xFFFFFFE0] =	vst v4;
	v3 =	vsub.f32 v3, v6  }
0x8e: {  	v0 =	vsub.f32 v0, v1;
	[tilespmem:s0+$0x0] =	vst v2;
	s30 =	sadd.s32 $0x1, s30  }
0x8f: {  	[tilespmem:s0+$0x10] =	vst v3;
	p1 =	sne.s32 s30, $0x5  }
.Ltmp2:
0x90: {  	s31 =	sadd.s32 s3, s31;
	[tilespmem:s0+$0xFFFFFFF0] =	vst v0;
	(pc) =	sbr.rel @p1 .LBB2_2-.Ltmp2, $4  }
0x91: {  	[hbm4b:s31+s5] =	stream.linear.scatter [tilespmem:s25], [sflag:$0x3], $0x2800, $0x38;
	[tilespmem:$0x1F628] =	vst v63  }
0x92: {  	_ =	swait.ge [sflag:s22], $0x2800  }
0x93: {  	[sflag:s22] =	ssyncset.done $0x0  }
0x94: {  	[sflag:s22] =	ssyncadd.s32 $0xFFFFD800  }
0x95: {  	s29 =	sadd.s32 $0x1, s29;
	s0 =	rddreg [dreg:$0x7]  }
0x96: {  	p1 =	sne.s32 s29, s0  }
.Ltmp3:
0x97: {  	_ = 	snop;
	(pc) =	sbr.rel @p1 .LBB2_1-.Ltmp3, $1  }
0x98: {  	_ =	sdelay $0x3  }
0x99: {  	_ =	sfence.sel $0x180000  }
0x9a: {  	[bflag:$0x0] =	sbarrier.arrive $0xFFFF  }
0x9b: {  	_ =	strace $0x90000047  }
0x9c: {  	s0 =	stileid.u32;
	[bflag:$0x2] =	sbarrier.arrive $0xFFFF  }
0x9d: {  	p0 =	sne.s32 s0, $0x0;
	s0 =	rddreg [dreg:$0x5]  }
0x9e: {  	s0 =	sadd.s32 @!p0 $0x100000, s0  }
0x9f: {  	[sflag:s0] =	ssyncadd.tile.s32 @!p0 $0x1;
	_ =	shalt  }
.Lfunc_end2:
_tile_overlayer_lowered:
.L_overlay_start_2:
0xa0: {  	(tag) =	ssettag $0x2  }
0xa1: {  	s0 =	rddreg [dreg:$0x0];
	s2 =	stileid.u32  }
0xa2: {  	s1 =	rddreg [dreg:$0x1];
	p0 =	sne.s32 s2, $0x0  }
0xa3: {  	s3 =	rddreg [dreg:$0x2];
	[bflag:$0x3] =	sbarrier.arrive $0xFFFF;
	s2 =	simm.s32 @!p0 $0x1C03  }
0xa4: {  	[timem:s3], [sflag:s2] =	dma.local @!p0 [hbm:s0], s1  }
0xa5: {  	s0 =	simm.s32 @!p0 $0x3  }
0xa6: {  	_ =	swait.ge @!p0 [sflag:s0], s1  }
0xa7: {  	s1 =	ssub.s32 @!p0 $0x0, s1;
	[sflag:s0] =	ssyncset.done @!p0 $0x0  }
0xa8: {  	[sflag:s0] =	ssyncadd.s32 @!p0 s1  }
0xa9: {  	[bflag:$0x3] =	sbarrier.arrive $0xFFFF  }
0xaa: {  	_ =	shalt  }

</sc_bundles>
